<compile_context>
chip_gen: v7x
topology: tpu7x:2x2x1
jax: 0.10.2.dev20260603
libtpu: 0.0.44.dev20260713+nightly
codegen_flags: <defaults>
</compile_context>

<pallas_src>
import functools

import jax
import jax.numpy as jnp
from jax import lax
from jax.experimental import pallas as pl
from jax.experimental.pallas import tpu as pltpu
from jax.experimental.pallas import tpu_sc as plsc

_F = 64
_C = 100000
_B = 1024
_BETA = 0.05
_K = 6
_C_BLK = 2048
_NBLK = -(-_C // _C_BLK)
_NCHUNK = _C_BLK // 128
_NEG = -1e30
_LOG2E = 1.4426950408889634
_LN2 = 0.6931471805599453


def _sc_gather(em_pairs, idx):
    info = plsc.get_sparse_core_info()
    nc, ns = info.num_cores, info.num_subcores
    nw = nc * ns
    bpw = _B // nw
    mesh = plsc.VectorSubcoreMesh(core_axis_name="c", subcore_axis_name="s")

    @functools.partial(
        pl.kernel,
        mesh=mesh,
        out_type=jax.ShapeDtypeStruct((_B, 2 * _F), jnp.float32),
        scratch_types=[
            pltpu.VMEM((bpw,), jnp.int32),
            pltpu.VMEM((bpw, 2 * _F), jnp.float32),
            pltpu.SemaphoreType.DMA,
        ],
    )
    def gather_kernel(table_hbm, idx_hbm, out_hbm, idx_v, rows_v, sem):
        wid = lax.axis_index("s") * nc + lax.axis_index("c")
        base = wid * bpw
        pltpu.sync_copy(idx_hbm.at[pl.ds(base, bpw)], idx_v)
        pltpu.async_copy(table_hbm.at[idx_v], rows_v, sem).wait()
        pltpu.sync_copy(rows_v, out_hbm.at[pl.ds(base, bpw)])

    return gather_kernel(em_pairs, idx)


def _top6_rounds(x):
    tops = []
    for k in range(_K):
        mk = jnp.max(x, axis=1, keepdims=True)
        tops.append(mk)
        if k + 1 < _K:
            x = jnp.where(x == mk, _NEG, x)
    return jnp.concatenate(tops, axis=1)


def _merge_top(r, s, keep):
    nr, ns = len(r), len(s)
    out = []
    for i in range(keep):
        cands = []
        for j in range(-1, nr):
            k = i - 1 - j
            if k < -1 or k >= ns:
                continue
            if j == -1:
                cands.append(s[k])
            elif k == -1:
                cands.append(r[j])
            else:
                cands.append(jnp.minimum(r[j], s[k]))
        m = cands[0]
        for c in cands[1:]:
            m = jnp.maximum(m, c)
        out.append(m)
    return out


def _oem_merge(a, b):
    n = len(a)
    if n == 1:
        return [jnp.maximum(a[0], b[0]), jnp.minimum(a[0], b[0])]
    ev = _oem_merge(a[0::2], b[0::2])
    od = _oem_merge(a[1::2], b[1::2])
    out = [ev[0]]
    for i in range(1, n):
        out.append(jnp.maximum(od[i - 1], ev[i]))
        out.append(jnp.minimum(od[i - 1], ev[i]))
    out.append(od[n - 1])
    return out


def _block_slot_top6(logits):
    chunks = [logits[:, c * 128:(c + 1) * 128] for c in range(_NCHUNK)]
    lists = [[c] for c in chunks]
    while len(lists) > 2 and len(lists[0]) < 8:
        lists = [_oem_merge(lists[j], lists[j + 1])
                 for j in range(0, len(lists), 2)]
    lists = [l[:_K] for l in lists]
    while len(lists) > 1:
        lists = [_merge_top(lists[j], lists[j + 1], _K)
                 for j in range(0, len(lists), 2)]
    return lists[0]


def _tc_body(x_ref, g_ref, t_ref, em_ref, out_ref, m_ref, s_ref, t6_ref):
    i = pl.program_id(0)

    @pl.when(i == 0)
    def _init():
        m_ref[...] = jnp.full((_B, 1), _NEG, jnp.float32)
        s_ref[...] = jnp.zeros((_B, 1), jnp.float32)
        t6_ref[...] = jnp.full((_K, _B, 128), _NEG, jnp.float32)

    a = x_ref[...] * (_LOG2E / _BETA)
    e = em_ref[...]
    row = lax.broadcasted_iota(jnp.int32, (_C_BLK, _F), 0) + i * _C_BLK
    e = jnp.where(row < _C, e, 0.0)
    logits = lax.dot_general(a, e, (((1,), (1,)), ((), ())),
                             preferred_element_type=jnp.float32)

    blk6 = _block_slot_top6(logits)
    run = [t6_ref[k] for k in range(_K)]
    new_run = _merge_top(run, blk6, _K)
    for k in range(_K):
        t6_ref[k] = new_run[k]

    m_old = m_ref[...]
    m_new = jnp.max(new_run[0], axis=1, keepdims=True)
    s_ref[...] = s_ref[...] * jnp.exp2(m_old - m_new) + jnp.sum(
        jnp.exp2(logits - m_new), axis=1, keepdims=True)
    m_ref[...] = m_new

    @pl.when(i == _NBLK - 1)
    def _fin():
        lse = m_ref[...] + jnp.log(s_ref[...]) * _LOG2E
        par = t_ref[...] % 2
        lane = lax.broadcasted_iota(jnp.int32, (_B, 2 * _F), 1)
        sel = (lane < _F) == (par == 0)
        a2 = jnp.concatenate([a, a], axis=1)
        lt = jnp.sum(jnp.where(sel, g_ref[...] * a2, 0.0),
                     axis=1, keepdims=True)
        cand = jnp.concatenate([t6_ref[k] for k in range(_K)], axis=1)
        t6 = _top6_rounds(cand)
        v6 = t6[:, _K - 1:_K]
        sum6 = jnp.sum(t6, axis=1, keepdims=True)
        in_top = lt >= v6
        sum_wo = sum6 - jnp.where(in_top, lt, 0.0)
        cnt = jnp.where(in_top, float(_K - 1), float(_K))
        loss_row = (1.0 + cnt / _K) * lse - lt - sum_wo / _K
        out_ref[...] = jnp.sum(loss_row, axis=0, keepdims=True) * (_LN2 / _B)


def _tc_call(inputs, gathered, targets2d, em, interpret=False):
    return pl.pallas_call(
        _tc_body,
        grid=(_NBLK,),
        in_specs=[
            pl.BlockSpec((_B, _F), lambda i: (0, 0)),
            pl.BlockSpec((_B, 2 * _F), lambda i: (0, 0)),
            pl.BlockSpec((_B, 1), lambda i: (0, 0)),
            pl.BlockSpec((_C_BLK, _F), lambda i: (i, 0)),
        ],
        out_specs=pl.BlockSpec((1, 1), lambda i: (0, 0)),
        out_shape=jax.ShapeDtypeStruct((1, 1), jnp.float32),
        scratch_shapes=[
            pltpu.VMEM((_B, 1), jnp.float32),
            pltpu.VMEM((_B, 1), jnp.float32),
            pltpu.VMEM((_K, _B, 128), jnp.float32),
        ],
        compiler_params=pltpu.CompilerParams(
            dimension_semantics=("arbitrary",),
        ),
        interpret=interpret,
    )(inputs, gathered, targets2d, em)


def kernel(inputs, em, targets, epoch):
    em_pairs = em.reshape(_C // 2, 2 * _F)
    gathered = _sc_gather(em_pairs, targets >> 1)
    out = _tc_call(inputs, gathered, targets.reshape(_B, 1), em)
    return out[0, 0]

# --- scband reference (transcript-rebuilt; emitter-appended) ---
"""Pipeline reference for scband-inv-net-36833639530809 (READ-ONLY COPY).

The authoritative reference and input builder live on the scoring server;
editing this copy changes nothing except your own understanding.
"""

import jax, jax.numpy as jnp
import numpy as np

NUM_FEATURES = 64
NUM_CLASSES = 100000
BATCH = 1024
BETA = 0.05
KNN = 6
ALPHA = 0.01


def setup_inputs(seed: int = 0) -> dict:
    key = jax.random.key(seed)
    k1, k2, k3 = jax.random.split(key, 3)
    inputs = jax.random.normal(k1, (BATCH, NUM_FEATURES), dtype=jnp.float32)
    targets = jax.random.randint(k2, (BATCH,), 0, NUM_CLASSES, dtype=jnp.int32)
    # Learned exemplar memory parameter (torch init is zeros; use normalized
    # random rows so the forward math is non-degenerate, matching steady-state)
    em = jax.random.normal(k3, (NUM_CLASSES, NUM_FEATURES), dtype=jnp.float32)
    em = em / jnp.linalg.norm(em, axis=1, keepdims=True)
    return {"inputs": inputs, "em": em, "targets": targets, "epoch": 5}


def reference(inputs, em, targets, epoch):
    # ExemplarMemory forward: logits = inputs @ em^T
    logits = jnp.dot(inputs, em.T)
    logits = logits / BETA
    B, C = logits.shape
    # knn > 0 and epoch > 4 -> smooth_loss path
    # smooth_hot on detached logits
    det = jax.lax.stop_gradient(logits)
    index_sorted = jnp.argsort(-det, axis=1)[:, :KNN]  # descending sort, top-k indices
    ones_mat = jnp.ones((B, KNN), dtype=jnp.float32)
    weights = jax.nn.softmax(ones_mat, axis=1)  # uniform 1/k
    targets_onehot = jnp.zeros((B, C), dtype=jnp.float32)
    rows = jnp.arange(B)[:, None]
    # scatter_(1, index_sorted[:, :k], ones_mat * weights)
    targets_onehot = targets_onehot.at[rows, index_sorted].set(ones_mat * weights)
    # scatter_(1, targets, 1.0)
    targets_onehot = targets_onehot.at[jnp.arange(B), targets].set(1.0)
    outputs = jax.nn.log_softmax(logits, axis=1)
    loss = -(targets_onehot * outputs)
    loss = loss.sum(axis=1)
    loss = loss.mean(axis=0)
    return loss

if __name__ == "__main__":
    import jax
    _d = setup_inputs()
    print(jax.jit(kernel)(*tuple(_d.values())))

</pallas_src>

<mosaic_0001>
#map = affine_map<(d0, d1) -> (0, 0)>
#map1 = affine_map<(d0, d1) -> (0)>
module attributes {stable_mosaic.version = 14 : i64} {
  func.func @gather_kernel(%arg0: i32, %arg1: i32, %arg2: memref<50000x128xf32, #tpu.memory_space<hbm>>, %arg3: memref<1024xi32, #tpu.memory_space<hbm>>, %arg4: memref<1024x128xf32, #tpu.memory_space<hbm>>, %arg5: memref<32xi32, #tpu.memory_space<vmem>>, %arg6: memref<32x128xf32, #tpu.memory_space<vmem>>, %arg7: memref<!tpu.dma_semaphore, #tpu.memory_space<semaphore_mem>>) attributes {dimension_semantics = [#tpu.dimension_semantics<core_parallel>, #tpu.dimension_semantics<subcore_parallel>], iteration_bounds = array<i64: 2, 16>, scalar_prefetch = 0 : i64, scratch_operands = 3 : i64, tpu.core_type = #tpu.core_type<sc_vector_subcore>, window_params = [{transform_indices = #map}, {transform_indices = #map1}, {transform_indices = #map}]} {
    %mul3A = arith.constant 2 : i32
    %mul3A_0 = arith.muli %arg1, %mul3A : i32
    %add3A = arith.addi %mul3A_0, %arg0 : i32
    %mul3A_1 = arith.constant 32 : i32
    %mul3A_2 = arith.muli %add3A, %mul3A_1 : i32
    "tpu.region"() ({
      %run_scoped3A = tpu.sem_alloc : memref<!tpu.dma_semaphore, #tpu.memory_space<semaphore_mem>>
      %dma_start3A_7 = tpu.memref_slice %arg3[%mul3A_2] : memref<1024xi32, #tpu.memory_space<hbm>> -> memref<32xi32, #tpu.memory_space<hbm>>
      %dma_start3A_8 = tpu.memref_slice %arg3[%mul3A_2] : memref<1024xi32, #tpu.memory_space<hbm>> -> memref<32xi32, #tpu.memory_space<hbm>>
      tpu.enqueue_dma source(%dma_start3A_8 : memref<32xi32, #tpu.memory_space<hbm>>) target(%arg5 : memref<32xi32, #tpu.memory_space<vmem>>) target_semaphore(%run_scoped3A : memref<!tpu.dma_semaphore, #tpu.memory_space<semaphore_mem>>)
      %dma_wait3A_9 = tpu.memref_slice %arg3[%mul3A_2] : memref<1024xi32, #tpu.memory_space<hbm>> -> memref<32xi32, #tpu.memory_space<hbm>>
      %dma_wait3A_10 = tpu.memref_slice %arg3[%mul3A_2] : memref<1024xi32, #tpu.memory_space<hbm>> -> memref<32xi32, #tpu.memory_space<hbm>>
      tpu.wait_dma2 semaphore(%run_scoped3A : memref<!tpu.dma_semaphore, #tpu.memory_space<semaphore_mem>>) src(%dma_wait3A_10 : memref<32xi32, #tpu.memory_space<hbm>>) dst(%arg5 : memref<32xi32, #tpu.memory_space<vmem>>)
      tpu.yield
    }) : () -> ()
    %dma_start3A = arith.constant 0 : i32
    %dma_start3A_3 = arith.constant 0 : i32
    %dma_start3A_4 = tpu.memref_slice %arg2[%dma_start3A, %dma_start3A_3] : memref<50000x128xf32, #tpu.memory_space<hbm>> -> memref<50000x128xf32, #tpu.memory_space<hbm>>
    tpu.enqueue_indirect_dma source(%dma_start3A_4 : memref<50000x128xf32, #tpu.memory_space<hbm>>) target(%arg6 : memref<32x128xf32, #tpu.memory_space<vmem>>) offsets(%arg5 : memref<32xi32, #tpu.memory_space<vmem>>) semaphore(%arg7 : memref<!tpu.dma_semaphore, #tpu.memory_space<semaphore_mem>>)
    %dma_wait3A = arith.constant 0 : i32
    %dma_wait3A_5 = arith.constant 0 : i32
    %dma_wait3A_6 = tpu.memref_slice %arg2[%dma_wait3A, %dma_wait3A_5] : memref<50000x128xf32, #tpu.memory_space<hbm>> -> memref<50000x128xf32, #tpu.memory_space<hbm>>
    tpu.wait_indirect_dma semaphore(%arg7 : memref<!tpu.dma_semaphore, #tpu.memory_space<semaphore_mem>>) src(%dma_wait3A_6 : memref<50000x128xf32, #tpu.memory_space<hbm>>) dst(%arg6 : memref<32x128xf32, #tpu.memory_space<vmem>>)
    "tpu.region"() ({
      %run_scoped3A = tpu.sem_alloc : memref<!tpu.dma_semaphore, #tpu.memory_space<semaphore_mem>>
      %dma_start3A_7 = arith.constant 0 : i32
      %dma_start3A_8 = tpu.memref_slice %arg4[%mul3A_2, %dma_start3A_7] : memref<1024x128xf32, #tpu.memory_space<hbm>> -> memref<32x128xf32, #tpu.memory_space<hbm>>
      %dma_start3A_9 = arith.constant 0 : i32
      %dma_start3A_10 = tpu.memref_slice %arg4[%mul3A_2, %dma_start3A_9] : memref<1024x128xf32, #tpu.memory_space<hbm>> -> memref<32x128xf32, #tpu.memory_space<hbm>>
      tpu.enqueue_dma source(%arg6 : memref<32x128xf32, #tpu.memory_space<vmem>>) target(%dma_start3A_10 : memref<32x128xf32, #tpu.memory_space<hbm>>) target_semaphore(%run_scoped3A : memref<!tpu.dma_semaphore, #tpu.memory_space<semaphore_mem>>)
      %dma_wait3A_11 = arith.constant 0 : i32
      %dma_wait3A_12 = tpu.memref_slice %arg4[%mul3A_2, %dma_wait3A_11] : memref<1024x128xf32, #tpu.memory_space<hbm>> -> memref<32x128xf32, #tpu.memory_space<hbm>>
      %dma_wait3A_13 = arith.constant 0 : i32
      %dma_wait3A_14 = tpu.memref_slice %arg4[%mul3A_2, %dma_wait3A_13] : memref<1024x128xf32, #tpu.memory_space<hbm>> -> memref<32x128xf32, #tpu.memory_space<hbm>>
      tpu.wait_dma2 semaphore(%run_scoped3A : memref<!tpu.dma_semaphore, #tpu.memory_space<semaphore_mem>>) src(%arg6 : memref<32x128xf32, #tpu.memory_space<vmem>>) dst(%dma_wait3A_14 : memref<32x128xf32, #tpu.memory_space<hbm>>)
      tpu.yield
    }) : () -> ()
    return
  }
}

module attributes {stable_mosaic.version = 14 : i64} {
  func.func @_tc_body(%arg0: i32, %arg1: memref<1024x64xf32, #tpu.memory_space<vmem>>, %arg2: memref<1024x128xf32, #tpu.memory_space<vmem>>, %arg3: memref<1024x1xi32, #tpu.memory_space<vmem>>, %arg4: memref<2048x64xf32, #tpu.memory_space<vmem>>, %arg5: memref<1x1xf32, #tpu.memory_space<vmem>>, %arg6: memref<1024x1xf32, #tpu.memory_space<vmem>>, %arg7: memref<1024x1xf32, #tpu.memory_space<vmem>>, %arg8: memref<6x1024x128xf32, #tpu.memory_space<vmem>>) attributes {dimension_semantics = [#tpu.dimension_semantics<arbitrary>], iteration_bounds = array<i64: 49>, scalar_prefetch = 0 : i64, scratch_operands = 3 : i64, tpu.core_type = #tpu.core_type<tc>, window_params = [{pipeline_mode = #tpu.pipeline_mode<synchronous>, transform_indices = @transform_0, window_bounds = array<i64: 1024, 64>}, {pipeline_mode = #tpu.pipeline_mode<synchronous>, transform_indices = @transform_1, window_bounds = array<i64: 1024, 128>}, {pipeline_mode = #tpu.pipeline_mode<synchronous>, transform_indices = @transform_2, window_bounds = array<i64: 1024, 1>}, {transform_indices = @transform_3, window_bounds = array<i64: 2048, 64>}, {pipeline_mode = #tpu.pipeline_mode<synchronous>, transform_indices = @transform_4, window_bounds = array<i64: 1, 1>}]} {
    %eq3A = arith.constant 0 : i32
    %eq3A_0 = arith.cmpi eq, %arg0, %eq3A : i32
    %convert_element_type3A = arith.extui %eq3A_0 : i1 to i32
    %cond3A = arith.constant 0 : i32
    %cond3A_1 = arith.cmpi ne, %convert_element_type3A, %cond3A : i32
    scf.if %cond3A_1 {
      %broadcast_in_dim3A_263 = arith.constant -1.000000e+30 : f32
      %broadcast_in_dim3A_264 = vector.broadcast %broadcast_in_dim3A_263 : f32 to vector<1024x1xf32>
      %swap3A_265 = arith.constant 0 : index
      %swap3A_266 = arith.constant 0 : index
      %swap3A_267 = vector.load %arg6[%swap3A_265, %swap3A_266] : memref<1024x1xf32, #tpu.memory_space<vmem>>, vector<1024x1xf32>
      tpu.vector_store %arg6[%swap3A_265, %swap3A_266], %broadcast_in_dim3A_264 {strides = array<i32>} : memref<1024x1xf32, #tpu.memory_space<vmem>>, vector<1024x1xf32>,
      %broadcast_in_dim3A_268 = arith.constant 0.000000e+00 : f32
      %broadcast_in_dim3A_269 = vector.broadcast %broadcast_in_dim3A_268 : f32 to vector<1024x1xf32>
      %swap3A_270 = arith.constant 0 : index
      %swap3A_271 = arith.constant 0 : index
      %swap3A_272 = vector.load %arg7[%swap3A_270, %swap3A_271] : memref<1024x1xf32, #tpu.memory_space<vmem>>, vector<1024x1xf32>
      tpu.vector_store %arg7[%swap3A_270, %swap3A_271], %broadcast_in_dim3A_269 {strides = array<i32>} : memref<1024x1xf32, #tpu.memory_space<vmem>>, vector<1024x1xf32>,
      %broadcast_in_dim3A_273 = arith.constant -1.000000e+30 : f32
      %broadcast_in_dim3A_274 = vector.broadcast %broadcast_in_dim3A_273 : f32 to vector<6x1024x128xf32>
      %swap3A_275 = arith.constant 0 : index
      %swap3A_276 = arith.constant 0 : index
      %swap3A_277 = arith.constant 0 : index
      %swap3A_278 = vector.load %arg8[%swap3A_275, %swap3A_276, %swap3A_277] : memref<6x1024x128xf32, #tpu.memory_space<vmem>>, vector<6x1024x128xf32>
      tpu.vector_store %arg8[%swap3A_275, %swap3A_276, %swap3A_277], %broadcast_in_dim3A_274 {strides = array<i32>} : memref<6x1024x128xf32, #tpu.memory_space<vmem>>, vector<6x1024x128xf32>,
    } else {
    }
    %get3A = arith.constant 0 : index
    %get3A_2 = arith.constant 0 : index
    %get3A_3 = vector.load %arg1[%get3A, %get3A_2] : memref<1024x64xf32, #tpu.memory_space<vmem>>, vector<1024x64xf32>
    %mul3A = arith.constant 2.885390e+01 : f32
    %mul3A_4 = vector.broadcast %mul3A : f32 to vector<1024x64xf32>
    %mul3A_5 = arith.mulf %get3A_3, %mul3A_4 : vector<1024x64xf32>
    %get3A_6 = arith.constant 0 : index
    %get3A_7 = arith.constant 0 : index
    %get3A_8 = vector.load %arg4[%get3A_6, %get3A_7] : memref<2048x64xf32, #tpu.memory_space<vmem>>, vector<2048x64xf32>
    %iota3A = tpu.iota {dimensions = array<i32: 0>} : vector<2048x64xi32>
    %mul3A_9 = arith.constant 2048 : i32
    %mul3A_10 = arith.muli %arg0, %mul3A_9 : i32
    %add3A = vector.broadcast %mul3A_10 : i32 to vector<2048x64xi32>
    %add3A_11 = arith.addi %iota3A, %add3A : vector<2048x64xi32>
    %lt3A = arith.constant 100000 : i32
    %lt3A_12 = vector.broadcast %lt3A : i32 to vector<2048x64xi32>
    %lt3A_13 = arith.cmpi slt, %add3A_11, %lt3A_12 : vector<2048x64xi32>
    %jit3A = arith.constant 0.000000e+00 : f32
    %broadcast_in_dim3A = vector.broadcast %jit3A : f32 to vector<2048x64xf32>
    %select_n3A = arith.select %lt3A_13, %get3A_8, %broadcast_in_dim3A : vector<2048x64xi1>, vector<2048x64xf32>
    %dot_general3A = arith.constant dense<0.000000e+00> : vector<1024x2048xf32>
    %dot_general3A_14 = tpu.matmul %mul3A_5, %select_n3A, %dot_general3A {dimension_numbers = #tpu.dot_dimension_numbers<[1], [1], [0], [0], [0, 0, 1, 0], [], []>, transpose_lhs_hint = false} : vector<1024x64xf32>, vector<2048x64xf32>, vector<1024x2048xf32> -> vector<1024x2048xf32>
    %slice3A = vector.extract_strided_slice %dot_general3A_14 {offsets = [0, 0], sizes = [1024, 128], strides = [1, 1]} : vector<1024x2048xf32> to vector<1024x128xf32>
    %slice3A_15 = vector.extract_strided_slice %dot_general3A_14 {offsets = [0, 128], sizes = [1024, 128], strides = [1, 1]} : vector<1024x2048xf32> to vector<1024x128xf32>
    %slice3A_16 = vector.extract_strided_slice %dot_general3A_14 {offsets = [0, 256], sizes = [1024, 128], strides = [1, 1]} : vector<1024x2048xf32> to vector<1024x128xf32>
    %slice3A_17 = vector.extract_strided_slice %dot_general3A_14 {offsets = [0, 384], sizes = [1024, 128], strides = [1, 1]} : vector<1024x2048xf32> to vector<1024x128xf32>
    %slice3A_18 = vector.extract_strided_slice %dot_general3A_14 {offsets = [0, 512], sizes = [1024, 128], strides = [1, 1]} : vector<1024x2048xf32> to vector<1024x128xf32>
    %slice3A_19 = vector.extract_strided_slice %dot_general3A_14 {offsets = [0, 640], sizes = [1024, 128], strides = [1, 1]} : vector<1024x2048xf32> to vector<1024x128xf32>
    %slice3A_20 = vector.extract_strided_slice %dot_general3A_14 {offsets = [0, 768], sizes = [1024, 128], strides = [1, 1]} : vector<1024x2048xf32> to vector<1024x128xf32>
    %slice3A_21 = vector.extract_strided_slice %dot_general3A_14 {offsets = [0, 896], sizes = [1024, 128], strides = [1, 1]} : vector<1024x2048xf32> to vector<1024x128xf32>
    %slice3A_22 = vector.extract_strided_slice %dot_general3A_14 {offsets = [0, 1024], sizes = [1024, 128], strides = [1, 1]} : vector<1024x2048xf32> to vector<1024x128xf32>
    %slice3A_23 = vector.extract_strided_slice %dot_general3A_14 {offsets = [0, 1152], sizes = [1024, 128], strides = [1, 1]} : vector<1024x2048xf32> to vector<1024x128xf32>
    %slice3A_24 = vector.extract_strided_slice %dot_general3A_14 {offsets = [0, 1280], sizes = [1024, 128], strides = [1, 1]} : vector<1024x2048xf32> to vector<1024x128xf32>
    %slice3A_25 = vector.extract_strided_slice %dot_general3A_14 {offsets = [0, 1408], sizes = [1024, 128], strides = [1, 1]} : vector<1024x2048xf32> to vector<1024x128xf32>
    %slice3A_26 = vector.extract_strided_slice %dot_general3A_14 {offsets = [0, 1536], sizes = [1024, 128], strides = [1, 1]} : vector<1024x2048xf32> to vector<1024x128xf32>
    %slice3A_27 = vector.extract_strided_slice %dot_general3A_14 {offsets = [0, 1664], sizes = [1024, 128], strides = [1, 1]} : vector<1024x2048xf32> to vector<1024x128xf32>
    %slice3A_28 = vector.extract_strided_slice %dot_general3A_14 {offsets = [0, 1792], sizes = [1024, 128], strides = [1, 1]} : vector<1024x2048xf32> to vector<1024x128xf32>
    %slice3A_29 = vector.extract_strided_slice %dot_general3A_14 {offsets = [0, 1920], sizes = [1024, 128], strides = [1, 1]} : vector<1024x2048xf32> to vector<1024x128xf32>
    %max3A = arith.maximumf %slice3A, %slice3A_15 : vector<1024x128xf32>
    %min3A = arith.minimumf %slice3A, %slice3A_15 : vector<1024x128xf32>
    %max3A_30 = arith.maximumf %slice3A_16, %slice3A_17 : vector<1024x128xf32>
    %min3A_31 = arith.minimumf %slice3A_16, %slice3A_17 : vector<1024x128xf32>
    %max3A_32 = arith.maximumf %slice3A_18, %slice3A_19 : vector<1024x128xf32>
    %min3A_33 = arith.minimumf %slice3A_18, %slice3A_19 : vector<1024x128xf32>
    %max3A_34 = arith.maximumf %slice3A_20, %slice3A_21 : vector<1024x128xf32>
    %min3A_35 = arith.minimumf %slice3A_20, %slice3A_21 : vector<1024x128xf32>
    %max3A_36 = arith.maximumf %slice3A_22, %slice3A_23 : vector<1024x128xf32>
    %min3A_37 = arith.minimumf %slice3A_22, %slice3A_23 : vector<1024x128xf32>
    %max3A_38 = arith.maximumf %slice3A_24, %slice3A_25 : vector<1024x128xf32>
    %min3A_39 = arith.minimumf %slice3A_24, %slice3A_25 : vector<1024x128xf32>
    %max3A_40 = arith.maximumf %slice3A_26, %slice3A_27 : vector<1024x128xf32>
    %min3A_41 = arith.minimumf %slice3A_26, %slice3A_27 : vector<1024x128xf32>
    %max3A_42 = arith.maximumf %slice3A_28, %slice3A_29 : vector<1024x128xf32>
    %min3A_43 = arith.minimumf %slice3A_28, %slice3A_29 : vector<1024x128xf32>
    %max3A_44 = arith.maximumf %max3A, %max3A_30 : vector<1024x128xf32>
    %min3A_45 = arith.minimumf %max3A, %max3A_30 : vector<1024x128xf32>
    %max3A_46 = arith.maximumf %min3A, %min3A_31 : vector<1024x128xf32>
    %min3A_47 = arith.minimumf %min3A, %min3A_31 : vector<1024x128xf32>
    %max3A_48 = arith.maximumf %max3A_46, %min3A_45 : vector<1024x128xf32>
    %min3A_49 = arith.minimumf %max3A_46, %min3A_45 : vector<1024x128xf32>
    %max3A_50 = arith.maximumf %max3A_32, %max3A_34 : vector<1024x128xf32>
    %min3A_51 = arith.minimumf %max3A_32, %max3A_34 : vector<1024x128xf32>
    %max3A_52 = arith.maximumf %min3A_33, %min3A_35 : vector<1024x128xf32>
    %min3A_53 = arith.minimumf %min3A_33, %min3A_35 : vector<1024x128xf32>
    %max3A_54 = arith.maximumf %max3A_52, %min3A_51 : vector<1024x128xf32>
    %min3A_55 = arith.minimumf %max3A_52, %min3A_51 : vector<1024x128xf32>
    %max3A_56 = arith.maximumf %max3A_36, %max3A_38 : vector<1024x128xf32>
    %min3A_57 = arith.minimumf %max3A_36, %max3A_38 : vector<1024x128xf32>
    %max3A_58 = arith.maximumf %min3A_37, %min3A_39 : vector<1024x128xf32>
    %min3A_59 = arith.minimumf %min3A_37, %min3A_39 : vector<1024x128xf32>
    %max3A_60 = arith.maximumf %max3A_58, %min3A_57 : vector<1024x128xf32>
    %min3A_61 = arith.minimumf %max3A_58, %min3A_57 : vector<1024x128xf32>
    %max3A_62 = arith.maximumf %max3A_40, %max3A_42 : vector<1024x128xf32>
    %min3A_63 = arith.minimumf %max3A_40, %max3A_42 : vector<1024x128xf32>
    %max3A_64 = arith.maximumf %min3A_41, %min3A_43 : vector<1024x128xf32>
    %min3A_65 = arith.minimumf %min3A_41, %min3A_43 : vector<1024x128xf32>
    %max3A_66 = arith.maximumf %max3A_64, %min3A_63 : vector<1024x128xf32>
    %min3A_67 = arith.minimumf %max3A_64, %min3A_63 : vector<1024x128xf32>
    %max3A_68 = arith.maximumf %max3A_44, %max3A_50 : vector<1024x128xf32>
    %min3A_69 = arith.minimumf %max3A_44, %max3A_50 : vector<1024x128xf32>
    %max3A_70 = arith.maximumf %min3A_49, %min3A_55 : vector<1024x128xf32>
    %min3A_71 = arith.minimumf %min3A_49, %min3A_55 : vector<1024x128xf32>
    %max3A_72 = arith.maximumf %max3A_70, %min3A_69 : vector<1024x128xf32>
    %min3A_73 = arith.minimumf %max3A_70, %min3A_69 : vector<1024x128xf32>
    %max3A_74 = arith.maximumf %max3A_48, %max3A_54 : vector<1024x128xf32>
    %min3A_75 = arith.minimumf %max3A_48, %max3A_54 : vector<1024x128xf32>
    %max3A_76 = arith.maximumf %min3A_47, %min3A_53 : vector<1024x128xf32>
    %max3A_77 = arith.maximumf %max3A_76, %min3A_75 : vector<1024x128xf32>
    %min3A_78 = arith.minimumf %max3A_76, %min3A_75 : vector<1024x128xf32>
    %max3A_79 = arith.maximumf %max3A_74, %max3A_72 : vector<1024x128xf32>
    %min3A_80 = arith.minimumf %max3A_74, %max3A_72 : vector<1024x128xf32>
    %max3A_81 = arith.maximumf %max3A_77, %min3A_73 : vector<1024x128xf32>
    %min3A_82 = arith.minimumf %max3A_77, %min3A_73 : vector<1024x128xf32>
    %max3A_83 = arith.maximumf %min3A_78, %min3A_71 : vector<1024x128xf32>
    %max3A_84 = arith.maximumf %max3A_56, %max3A_62 : vector<1024x128xf32>
    %min3A_85 = arith.minimumf %max3A_56, %max3A_62 : vector<1024x128xf32>
    %max3A_86 = arith.maximumf %min3A_61, %min3A_67 : vector<1024x128xf32>
    %min3A_87 = arith.minimumf %min3A_61, %min3A_67 : vector<1024x128xf32>
    %max3A_88 = arith.maximumf %max3A_86, %min3A_85 : vector<1024x128xf32>
    %min3A_89 = arith.minimumf %max3A_86, %min3A_85 : vector<1024x128xf32>
    %max3A_90 = arith.maximumf %max3A_60, %max3A_66 : vector<1024x128xf32>
    %min3A_91 = arith.minimumf %max3A_60, %max3A_66 : vector<1024x128xf32>
    %max3A_92 = arith.maximumf %min3A_59, %min3A_65 : vector<1024x128xf32>
    %max3A_93 = arith.maximumf %max3A_92, %min3A_91 : vector<1024x128xf32>
    %min3A_94 = arith.minimumf %max3A_92, %min3A_91 : vector<1024x128xf32>
    %max3A_95 = arith.maximumf %max3A_90, %max3A_88 : vector<1024x128xf32>
    %min3A_96 = arith.minimumf %max3A_90, %max3A_88 : vector<1024x128xf32>
    %max3A_97 = arith.maximumf %max3A_93, %min3A_89 : vector<1024x128xf32>
    %min3A_98 = arith.minimumf %max3A_93, %min3A_89 : vector<1024x128xf32>
    %max3A_99 = arith.maximumf %min3A_94, %min3A_87 : vector<1024x128xf32>
    %max3A_100 = arith.maximumf %max3A_84, %max3A_68 : vector<1024x128xf32>
    %min3A_101 = arith.minimumf %max3A_68, %max3A_84 : vector<1024x128xf32>
    %max3A_102 = arith.maximumf %max3A_95, %min3A_101 : vector<1024x128xf32>
    %max3A_103 = arith.maximumf %max3A_102, %max3A_79 : vector<1024x128xf32>
    %min3A_104 = arith.minimumf %max3A_68, %max3A_95 : vector<1024x128xf32>
    %min3A_105 = arith.minimumf %max3A_79, %max3A_84 : vector<1024x128xf32>
    %max3A_106 = arith.maximumf %min3A_96, %min3A_104 : vector<1024x128xf32>
    %max3A_107 = arith.maximumf %max3A_106, %min3A_105 : vector<1024x128xf32>
    %max3A_108 = arith.maximumf %max3A_107, %min3A_80 : vector<1024x128xf32>
    %min3A_109 = arith.minimumf %max3A_68, %min3A_96 : vector<1024x128xf32>
    %min3A_110 = arith.minimumf %max3A_79, %max3A_95 : vector<1024x128xf32>
    %min3A_111 = arith.minimumf %min3A_80, %max3A_84 : vector<1024x128xf32>
    %max3A_112 = arith.maximumf %max3A_97, %min3A_109 : vector<1024x128xf32>
    %max3A_113 = arith.maximumf %max3A_112, %min3A_110 : vector<1024x128xf32>
    %max3A_114 = arith.maximumf %max3A_113, %min3A_111 : vector<1024x128xf32>
    %max3A_115 = arith.maximumf %max3A_114, %max3A_81 : vector<1024x128xf32>
    %min3A_116 = arith.minimumf %max3A_68, %max3A_97 : vector<1024x128xf32>
    %min3A_117 = arith.minimumf %max3A_79, %min3A_96 : vector<1024x128xf32>
    %min3A_118 = arith.minimumf %min3A_80, %max3A_95 : vector<1024x128xf32>
    %min3A_119 = arith.minimumf %max3A_81, %max3A_84 : vector<1024x128xf32>
    %max3A_120 = arith.maximumf %min3A_98, %min3A_116 : vector<1024x128xf32>
    %max3A_121 = arith.maximumf %max3A_120, %min3A_117 : vector<1024x128xf32>
    %max3A_122 = arith.maximumf %max3A_121, %min3A_118 : vector<1024x128xf32>
    %max3A_123 = arith.maximumf %max3A_122, %min3A_119 : vector<1024x128xf32>
    %max3A_124 = arith.maximumf %max3A_123, %min3A_82 : vector<1024x128xf32>
    %min3A_125 = arith.minimumf %max3A_68, %min3A_98 : vector<1024x128xf32>
    %min3A_126 = arith.minimumf %max3A_79, %max3A_97 : vector<1024x128xf32>
    %min3A_127 = arith.minimumf %min3A_80, %min3A_96 : vector<1024x128xf32>
    %min3A_128 = arith.minimumf %max3A_81, %max3A_95 : vector<1024x128xf32>
    %min3A_129 = arith.minimumf %min3A_82, %max3A_84 : vector<1024x128xf32>
    %max3A_130 = arith.maximumf %max3A_99, %min3A_125 : vector<1024x128xf32>
    %max3A_131 = arith.maximumf %max3A_130, %min3A_126 : vector<1024x128xf32>
    %max3A_132 = arith.maximumf %max3A_131, %min3A_127 : vector<1024x128xf32>
    %max3A_133 = arith.maximumf %max3A_132, %min3A_128 : vector<1024x128xf32>
    %max3A_134 = arith.maximumf %max3A_133, %min3A_129 : vector<1024x128xf32>
    %max3A_135 = arith.maximumf %max3A_134, %max3A_83 : vector<1024x128xf32>
    %get3A_136 = arith.constant 0 : index
    %get3A_137 = arith.constant 0 : index
    %get3A_138 = arith.constant 0 : index
    %get3A_139 = vector.load %arg8[%get3A_136, %get3A_137, %get3A_138] : memref<6x1024x128xf32, #tpu.memory_space<vmem>>, vector<1x1024x128xf32>
    %get3A_140 = vector.shape_cast %get3A_139 : vector<1x1024x128xf32> to vector<1024x128xf32>
    %get3A_141 = arith.constant 1 : index
    %get3A_142 = arith.constant 0 : index
    %get3A_143 = arith.constant 0 : index
    %get3A_144 = vector.load %arg8[%get3A_141, %get3A_142, %get3A_143] : memref<6x1024x128xf32, #tpu.memory_space<vmem>>, vector<1x1024x128xf32>
    %get3A_145 = vector.shape_cast %get3A_144 : vector<1x1024x128xf32> to vector<1024x128xf32>
    %get3A_146 = arith.constant 2 : index
    %get3A_147 = arith.constant 0 : index
    %get3A_148 = arith.constant 0 : index
    %get3A_149 = vector.load %arg8[%get3A_146, %get3A_147, %get3A_148] : memref<6x1024x128xf32, #tpu.memory_space<vmem>>, vector<1x1024x128xf32>
    %get3A_150 = vector.shape_cast %get3A_149 : vector<1x1024x128xf32> to vector<1024x128xf32>
    %get3A_151 = arith.constant 3 : index
    %get3A_152 = arith.constant 0 : index
    %get3A_153 = arith.constant 0 : index
    %get3A_154 = vector.load %arg8[%get3A_151, %get3A_152, %get3A_153] : memref<6x1024x128xf32, #tpu.memory_space<vmem>>, vector<1x1024x128xf32>
    %get3A_155 = vector.shape_cast %get3A_154 : vector<1x1024x128xf32> to vector<1024x128xf32>
    %get3A_156 = arith.constant 4 : index
    %get3A_157 = arith.constant 0 : index
    %get3A_158 = arith.constant 0 : index
    %get3A_159 = vector.load %arg8[%get3A_156, %get3A_157, %get3A_158] : memref<6x1024x128xf32, #tpu.memory_space<vmem>>, vector<1x1024x128xf32>
    %get3A_160 = vector.shape_cast %get3A_159 : vector<1x1024x128xf32> to vector<1024x128xf32>
    %get3A_161 = arith.constant 5 : index
    %get3A_162 = arith.constant 0 : index
    %get3A_163 = arith.constant 0 : index
    %get3A_164 = vector.load %arg8[%get3A_161, %get3A_162, %get3A_163] : memref<6x1024x128xf32, #tpu.memory_space<vmem>>, vector<1x1024x128xf32>
    %get3A_165 = vector.shape_cast %get3A_164 : vector<1x1024x128xf32> to vector<1024x128xf32>
    %max3A_166 = arith.maximumf %max3A_100, %get3A_140 : vector<1024x128xf32>
    %min3A_167 = arith.minimumf %get3A_140, %max3A_100 : vector<1024x128xf32>
    %max3A_168 = arith.maximumf %max3A_103, %min3A_167 : vector<1024x128xf32>
    %max3A_169 = arith.maximumf %max3A_168, %get3A_145 : vector<1024x128xf32>
    %min3A_170 = arith.minimumf %get3A_140, %max3A_103 : vector<1024x128xf32>
    %min3A_171 = arith.minimumf %get3A_145, %max3A_100 : vector<1024x128xf32>
    %max3A_172 = arith.maximumf %max3A_108, %min3A_170 : vector<1024x128xf32>
    %max3A_173 = arith.maximumf %max3A_172, %min3A_171 : vector<1024x128xf32>
    %max3A_174 = arith.maximumf %max3A_173, %get3A_150 : vector<1024x128xf32>
    %min3A_175 = arith.minimumf %get3A_140, %max3A_108 : vector<1024x128xf32>
    %min3A_176 = arith.minimumf %get3A_145, %max3A_103 : vector<1024x128xf32>
    %min3A_177 = arith.minimumf %get3A_150, %max3A_100 : vector<1024x128xf32>
    %max3A_178 = arith.maximumf %max3A_115, %min3A_175 : vector<1024x128xf32>
    %max3A_179 = arith.maximumf %max3A_178, %min3A_176 : vector<1024x128xf32>
    %max3A_180 = arith.maximumf %max3A_179, %min3A_177 : vector<1024x128xf32>
    %max3A_181 = arith.maximumf %max3A_180, %get3A_155 : vector<1024x128xf32>
    %min3A_182 = arith.minimumf %get3A_140, %max3A_115 : vector<1024x128xf32>
    %min3A_183 = arith.minimumf %get3A_145, %max3A_108 : vector<1024x128xf32>
    %min3A_184 = arith.minimumf %get3A_150, %max3A_103 : vector<1024x128xf32>
    %min3A_185 = arith.minimumf %get3A_155, %max3A_100 : vector<1024x128xf32>
    %max3A_186 = arith.maximumf %max3A_124, %min3A_182 : vector<1024x128xf32>
    %max3A_187 = arith.maximumf %max3A_186, %min3A_183 : vector<1024x128xf32>
    %max3A_188 = arith.maximumf %max3A_187, %min3A_184 : vector<1024x128xf32>
    %max3A_189 = arith.maximumf %max3A_188, %min3A_185 : vector<1024x128xf32>
    %max3A_190 = arith.maximumf %max3A_189, %get3A_160 : vector<1024x128xf32>
    %min3A_191 = arith.minimumf %get3A_140, %max3A_124 : vector<1024x128xf32>
    %min3A_192 = arith.minimumf %get3A_145, %max3A_115 : vector<1024x128xf32>
    %min3A_193 = arith.minimumf %get3A_150, %max3A_108 : vector<1024x128xf32>
    %min3A_194 = arith.minimumf %get3A_155, %max3A_103 : vector<1024x128xf32>
    %min3A_195 = arith.minimumf %get3A_160, %max3A_100 : vector<1024x128xf32>
    %max3A_196 = arith.maximumf %max3A_135, %min3A_191 : vector<1024x128xf32>
    %max3A_197 = arith.maximumf %max3A_196, %min3A_192 : vector<1024x128xf32>
    %max3A_198 = arith.maximumf %max3A_197, %min3A_193 : vector<1024x128xf32>
    %max3A_199 = arith.maximumf %max3A_198, %min3A_194 : vector<1024x128xf32>
    %max3A_200 = arith.maximumf %max3A_199, %min3A_195 : vector<1024x128xf32>
    %max3A_201 = arith.maximumf %max3A_200, %get3A_165 : vector<1024x128xf32>
    %swap3A = arith.constant 0 : index
    %swap3A_202 = arith.constant 0 : index
    %swap3A_203 = arith.constant 0 : index
    %swap3A_204 = vector.load %arg8[%swap3A, %swap3A_202, %swap3A_203] : memref<6x1024x128xf32, #tpu.memory_space<vmem>>, vector<1x1024x128xf32>
    %swap3A_205 = vector.shape_cast %swap3A_204 : vector<1x1024x128xf32> to vector<1024x128xf32>
    %swap3A_206 = vector.shape_cast %max3A_166 : vector<1024x128xf32> to vector<1x1024x128xf32>
    tpu.vector_store %arg8[%swap3A, %swap3A_202, %swap3A_203], %swap3A_206 {strides = array<i32>} : memref<6x1024x128xf32, #tpu.memory_space<vmem>>, vector<1x1024x128xf32>,
    %swap3A_207 = arith.constant 1 : index
    %swap3A_208 = arith.constant 0 : index
    %swap3A_209 = arith.constant 0 : index
    %swap3A_210 = vector.load %arg8[%swap3A_207, %swap3A_208, %swap3A_209] : memref<6x1024x128xf32, #tpu.memory_space<vmem>>, vector<1x1024x128xf32>
    %swap3A_211 = vector.shape_cast %swap3A_210 : vector<1x1024x128xf32> to vector<1024x128xf32>
    %swap3A_212 = vector.shape_cast %max3A_169 : vector<1024x128xf32> to vector<1x1024x128xf32>
    tpu.vector_store %arg8[%swap3A_207, %swap3A_208, %swap3A_209], %swap3A_212 {strides = array<i32>} : memref<6x1024x128xf32, #tpu.memory_space<vmem>>, vector<1x1024x128xf32>,
    %swap3A_213 = arith.constant 2 : index
    %swap3A_214 = arith.constant 0 : index
    %swap3A_215 = arith.constant 0 : index
    %swap3A_216 = vector.load %arg8[%swap3A_213, %swap3A_214, %swap3A_215] : memref<6x1024x128xf32, #tpu.memory_space<vmem>>, vector<1x1024x128xf32>
    %swap3A_217 = vector.shape_cast %swap3A_216 : vector<1x1024x128xf32> to vector<1024x128xf32>
    %swap3A_218 = vector.shape_cast %max3A_174 : vector<1024x128xf32> to vector<1x1024x128xf32>
    tpu.vector_store %arg8[%swap3A_213, %swap3A_214, %swap3A_215], %swap3A_218 {strides = array<i32>} : memref<6x1024x128xf32, #tpu.memory_space<vmem>>, vector<1x1024x128xf32>,
    %swap3A_219 = arith.constant 3 : index
    %swap3A_220 = arith.constant 0 : index
    %swap3A_221 = arith.constant 0 : index
    %swap3A_222 = vector.load %arg8[%swap3A_219, %swap3A_220, %swap3A_221] : memref<6x1024x128xf32, #tpu.memory_space<vmem>>, vector<1x1024x128xf32>
    %swap3A_223 = vector.shape_cast %swap3A_222 : vector<1x1024x128xf32> to vector<1024x128xf32>
    %swap3A_224 = vector.shape_cast %max3A_181 : vector<1024x128xf32> to vector<1x1024x128xf32>
    tpu.vector_store %arg8[%swap3A_219, %swap3A_220, %swap3A_221], %swap3A_224 {strides = array<i32>} : memref<6x1024x128xf32, #tpu.memory_space<vmem>>, vector<1x1024x128xf32>,
    %swap3A_225 = arith.constant 4 : index
    %swap3A_226 = arith.constant 0 : index
    %swap3A_227 = arith.constant 0 : index
    %swap3A_228 = vector.load %arg8[%swap3A_225, %swap3A_226, %swap3A_227] : memref<6x1024x128xf32, #tpu.memory_space<vmem>>, vector<1x1024x128xf32>
    %swap3A_229 = vector.shape_cast %swap3A_228 : vector<1x1024x128xf32> to vector<1024x128xf32>
    %swap3A_230 = vector.shape_cast %max3A_190 : vector<1024x128xf32> to vector<1x1024x128xf32>
    tpu.vector_store %arg8[%swap3A_225, %swap3A_226, %swap3A_227], %swap3A_230 {strides = array<i32>} : memref<6x1024x128xf32, #tpu.memory_space<vmem>>, vector<1x1024x128xf32>,
    %swap3A_231 = arith.constant 5 : index
    %swap3A_232 = arith.constant 0 : index
    %swap3A_233 = arith.constant 0 : index
    %swap3A_234 = vector.load %arg8[%swap3A_231, %swap3A_232, %swap3A_233] : memref<6x1024x128xf32, #tpu.memory_space<vmem>>, vector<1x1024x128xf32>
    %swap3A_235 = vector.shape_cast %swap3A_234 : vector<1x1024x128xf32> to vector<1024x128xf32>
    %swap3A_236 = vector.shape_cast %max3A_201 : vector<1024x128xf32> to vector<1x1024x128xf32>
    tpu.vector_store %arg8[%swap3A_231, %swap3A_232, %swap3A_233], %swap3A_236 {strides = array<i32>} : memref<6x1024x128xf32, #tpu.memory_space<vmem>>, vector<1x1024x128xf32>,
    %get3A_237 = arith.constant 0 : index
    %get3A_238 = arith.constant 0 : index
    %get3A_239 = vector.load %arg6[%get3A_237, %get3A_238] : memref<1024x1xf32, #tpu.memory_space<vmem>>, vector<1024x1xf32>
    %reduce_max3A = arith.constant dense<0xFF800000> : vector<1024xf32>
    %reduce_max3A_240 = vector.multi_reduction <maximumf>, %max3A_166, %reduce_max3A [1] : vector<1024x128xf32> to vector<1024xf32>
    %broadcast_in_dim3A_241 = vector.shape_cast %reduce_max3A_240 : vector<1024xf32> to vector<1024x1xf32>
    %get3A_242 = arith.constant 0 : index
    %get3A_243 = arith.constant 0 : index
    %get3A_244 = vector.load %arg7[%get3A_242, %get3A_243] : memref<1024x1xf32, #tpu.memory_space<vmem>>, vector<1024x1xf32>
    %sub3A = arith.subf %get3A_239, %broadcast_in_dim3A_241 : vector<1024x1xf32>
    %exp23A = math.exp2 %sub3A : vector<1024x1xf32>
    %mul3A_245 = arith.mulf %get3A_244, %exp23A : vector<1024x1xf32>
    %sub3A_246 = vector.broadcast %broadcast_in_dim3A_241 : vector<1024x1xf32> to vector<1024x2048xf32>
    %sub3A_247 = arith.subf %dot_general3A_14, %sub3A_246 : vector<1024x2048xf32>
    %exp23A_248 = math.exp2 %sub3A_247 : vector<1024x2048xf32>
    %reduce_sum3A = arith.constant dense<0.000000e+00> : vector<1024xf32>
    %reduce_sum3A_249 = vector.multi_reduction <add>, %exp23A_248, %reduce_sum3A [1] : vector<1024x2048xf32> to vector<1024xf32>
    %broadcast_in_dim3A_250 = vector.shape_cast %reduce_sum3A_249 : vector<1024xf32> to vector<1024x1xf32>
    %add3A_251 = arith.addf %mul3A_245, %broadcast_in_dim3A_250 : vector<1024x1xf32>
    %swap3A_252 = arith.constant 0 : index
    %swap3A_253 = arith.constant 0 : index
    %swap3A_254 = vector.load %arg7[%swap3A_252, %swap3A_253] : memref<1024x1xf32, #tpu.memory_space<vmem>>, vector<1024x1xf32>
    tpu.vector_store %arg7[%swap3A_252, %swap3A_253], %add3A_251 {strides = array<i32>} : memref<1024x1xf32, #tpu.memory_space<vmem>>, vector<1024x1xf32>,
    %swap3A_255 = arith.constant 0 : index
    %swap3A_256 = arith.constant 0 : index
    %swap3A_257 = vector.load %arg6[%swap3A_255, %swap3A_256] : memref<1024x1xf32, #tpu.memory_space<vmem>>, vector<1024x1xf32>
    tpu.vector_store %arg6[%swap3A_255, %swap3A_256], %broadcast_in_dim3A_241 {strides = array<i32>} : memref<1024x1xf32, #tpu.memory_space<vmem>>, vector<1024x1xf32>,
    %eq3A_258 = arith.constant 48 : i32
    %eq3A_259 = arith.cmpi eq, %arg0, %eq3A_258 : i32
    %convert_element_type3A_260 = arith.extui %eq3A_259 : i1 to i32
    %cond3A_261 = arith.constant 0 : i32
    %cond3A_262 = arith.cmpi ne, %convert_element_type3A_260, %cond3A_261 : i32
    scf.if %cond3A_262 {
      %get3A_263 = arith.constant 0 : index
      %get3A_264 = arith.constant 0 : index
      %get3A_265 = vector.load %arg6[%get3A_263, %get3A_264] : memref<1024x1xf32, #tpu.memory_space<vmem>>, vector<1024x1xf32>
      %get3A_266 = arith.constant 0 : index
      %get3A_267 = arith.constant 0 : index
      %get3A_268 = vector.load %arg7[%get3A_266, %get3A_267] : memref<1024x1xf32, #tpu.memory_space<vmem>>, vector<1024x1xf32>
      %log3A = math.log %get3A_268 : vector<1024x1xf32>
      %mul3A_269 = arith.constant 1.44269502 : f32
      %mul3A_270 = vector.broadcast %mul3A_269 : f32 to vector<1024x1xf32>
      %mul3A_271 = arith.mulf %log3A, %mul3A_270 : vector<1024x1xf32>
      %add3A_272 = arith.addf %get3A_265, %mul3A_271 : vector<1024x1xf32>
      %get3A_273 = arith.constant 0 : index
      %get3A_274 = arith.constant 0 : index
      %get3A_275 = vector.load %arg3[%get3A_273, %get3A_274] : memref<1024x1xi32, #tpu.memory_space<vmem>>, vector<1024x1xi32>
      %jit3A_276 = arith.constant 2 : i32
      %eq3A_277 = arith.constant 0 : i32
      %eq3A_278 = arith.cmpi eq, %jit3A_276, %eq3A_277 : i32
      %jit3A_279 = arith.constant 1 : i32
      %select_n3A_280 = arith.select %eq3A_278, %jit3A_279, %jit3A_276 : i32
      %rem3A = vector.broadcast %select_n3A_280 : i32 to vector<1024x1xi32>
      %rem3A_281 = arith.remsi %get3A_275, %rem3A : vector<1024x1xi32>
      %ne3A = arith.constant 0 : i32
      %ne3A_282 = vector.broadcast %ne3A : i32 to vector<1024x1xi32>
      %ne3A_283 = arith.cmpi ne, %rem3A_281, %ne3A_282 : vector<1024x1xi32>
      %lt3A_284 = arith.constant 0 : i32
      %lt3A_285 = vector.broadcast %lt3A_284 : i32 to vector<1024x1xi32>
      %lt3A_286 = arith.cmpi slt, %rem3A_281, %lt3A_285 : vector<1024x1xi32>
      %lt3A_287 = arith.constant 0 : i32
      %lt3A_288 = arith.cmpi slt, %select_n3A_280, %lt3A_287 : i32
      %ne3A_289 = vector.broadcast %lt3A_288 : i1 to vector<1024x1xi1>
      %ne3A_290 = vector.broadcast %ne3A_289 : vector<1024x1xi1> to vector<1024x1xi1>
      %ne3A_291 = arith.xori %lt3A_286, %ne3A_290 : vector<1024x1xi1>
      %and3A = arith.andi %ne3A_291, %ne3A_283 : vector<1024x1xi1>
      %add3A_292 = vector.broadcast %select_n3A_280 : i32 to vector<1024x1xi32>
      %add3A_293 = arith.addi %rem3A_281, %add3A_292 : vector<1024x1xi32>
      %select_n3A_294 = arith.select %and3A, %add3A_293, %rem3A_281 : vector<1024x1xi1>, vector<1024x1xi32>
      %iota3A_295 = tpu.iota {dimensions = array<i32: 1>} : vector<1024x128xi32>
      %lt3A_296 = arith.constant 64 : i32
      %lt3A_297 = vector.broadcast %lt3A_296 : i32 to vector<1024x128xi32>
      %lt3A_298 = arith.cmpi slt, %iota3A_295, %lt3A_297 : vector<1024x128xi32>
      %eq3A_299 = arith.constant 0 : i32
      %eq3A_300 = vector.broadcast %eq3A_299 : i32 to vector<1024x1xi32>
      %eq3A_301 = arith.cmpi eq, %select_n3A_294, %eq3A_300 : vector<1024x1xi32>
      %eq3A_302 = vector.broadcast %eq3A_301 : vector<1024x1xi1> to vector<1024x128xi1>
      %eq3A_303 = vector.broadcast %eq3A_302 : vector<1024x128xi1> to vector<1024x128xi1>
      %eq3A_304 = arith.xori %lt3A_298, %eq3A_303 : vector<1024x128xi1>
      %eq3A_305 = arith.constant dense<true> : vector<1024x128xi1>
      %eq3A_306 = arith.xori %eq3A_304, %eq3A_305 : vector<1024x128xi1>
      %concatenate3A = tpu.concatenate %mul3A_5, %mul3A_5 in 1 : vector<1024x64xf32>, vector<1024x64xf32> -> vector<1024x128xf32>
      %get3A_307 = arith.constant 0 : index
      %get3A_308 = arith.constant 0 : index
      %get3A_309 = vector.load %arg2[%get3A_307, %get3A_308] : memref<1024x128xf32, #tpu.memory_space<vmem>>, vector<1024x128xf32>
      %mul3A_310 = arith.mulf %get3A_309, %concatenate3A : vector<1024x128xf32>
      %jit3A_311 = arith.constant 0.000000e+00 : f32
      %broadcast_in_dim3A_312 = vector.broadcast %jit3A_311 : f32 to vector<1024x128xf32>
      %select_n3A_313 = arith.select %eq3A_306, %mul3A_310, %broadcast_in_dim3A_312 : vector<1024x128xi1>, vector<1024x128xf32>
      %reduce_sum3A_314 = arith.constant dense<0.000000e+00> : vector<1024xf32>
      %reduce_sum3A_315 = vector.multi_reduction <add>, %select_n3A_313, %reduce_sum3A_314 [1] : vector<1024x128xf32> to vector<1024xf32>
      %broadcast_in_dim3A_316 = vector.shape_cast %reduce_sum3A_315 : vector<1024xf32> to vector<1024x1xf32>
      %get3A_317 = arith.constant 0 : index
      %get3A_318 = arith.constant 0 : index
      %get3A_319 = arith.constant 0 : index
      %get3A_320 = vector.load %arg8[%get3A_317, %get3A_318, %get3A_319] : memref<6x1024x128xf32, #tpu.memory_space<vmem>>, vector<1x1024x128xf32>
      %get3A_321 = vector.shape_cast %get3A_320 : vector<1x1024x128xf32> to vector<1024x128xf32>
      %get3A_322 = arith.constant 1 : index
      %get3A_323 = arith.constant 0 : index
      %get3A_324 = arith.constant 0 : index
      %get3A_325 = vector.load %arg8[%get3A_322, %get3A_323, %get3A_324] : memref<6x1024x128xf32, #tpu.memory_space<vmem>>, vector<1x1024x128xf32>
      %get3A_326 = vector.shape_cast %get3A_325 : vector<1x1024x128xf32> to vector<1024x128xf32>
      %get3A_327 = arith.constant 2 : index
      %get3A_328 = arith.constant 0 : index
      %get3A_329 = arith.constant 0 : index
      %get3A_330 = vector.load %arg8[%get3A_327, %get3A_328, %get3A_329] : memref<6x1024x128xf32, #tpu.memory_space<vmem>>, vector<1x1024x128xf32>
      %get3A_331 = vector.shape_cast %get3A_330 : vector<1x1024x128xf32> to vector<1024x128xf32>
      %get3A_332 = arith.constant 3 : index
      %get3A_333 = arith.constant 0 : index
      %get3A_334 = arith.constant 0 : index
      %get3A_335 = vector.load %arg8[%get3A_332, %get3A_333, %get3A_334] : memref<6x1024x128xf32, #tpu.memory_space<vmem>>, vector<1x1024x128xf32>
      %get3A_336 = vector.shape_cast %get3A_335 : vector<1x1024x128xf32> to vector<1024x128xf32>
      %get3A_337 = arith.constant 4 : index
      %get3A_338 = arith.constant 0 : index
      %get3A_339 = arith.constant 0 : index
      %get3A_340 = vector.load %arg8[%get3A_337, %get3A_338, %get3A_339] : memref<6x1024x128xf32, #tpu.memory_space<vmem>>, vector<1x1024x128xf32>
      %get3A_341 = vector.shape_cast %get3A_340 : vector<1x1024x128xf32> to vector<1024x128xf32>
      %get3A_342 = arith.constant 5 : index
      %get3A_343 = arith.constant 0 : index
      %get3A_344 = arith.constant 0 : index
      %get3A_345 = vector.load %arg8[%get3A_342, %get3A_343, %get3A_344] : memref<6x1024x128xf32, #tpu.memory_space<vmem>>, vector<1x1024x128xf32>
      %get3A_346 = vector.shape_cast %get3A_345 : vector<1x1024x128xf32> to vector<1024x128xf32>
      %concatenate3A_347 = tpu.concatenate %get3A_321, %get3A_326, %get3A_331, %get3A_336, %get3A_341, %get3A_346 in 1 : vector<1024x128xf32>, vector<1024x128xf32>, vector<1024x128xf32>, vector<1024x128xf32>, vector<1024x128xf32>, vector<1024x128xf32> -> vector<1024x768xf32>
      %reduce_max3A_348 = arith.constant dense<0xFF800000> : vector<1024xf32>
      %reduce_max3A_349 = vector.multi_reduction <maximumf>, %concatenate3A_347, %reduce_max3A_348 [1] : vector<1024x768xf32> to vector<1024xf32>
      %broadcast_in_dim3A_350 = vector.shape_cast %reduce_max3A_349 : vector<1024xf32> to vector<1024x1xf32>
      %eq3A_351 = vector.broadcast %broadcast_in_dim3A_350 : vector<1024x1xf32> to vector<1024x768xf32>
      %eq3A_352 = arith.cmpf oeq, %concatenate3A_347, %eq3A_351 : vector<1024x768xf32>
      %jit3A_353 = arith.constant -1.000000e+30 : f32
      %broadcast_in_dim3A_354 = vector.broadcast %jit3A_353 : f32 to vector<1024x768xf32>
      %select_n3A_355 = arith.select %eq3A_352, %broadcast_in_dim3A_354, %concatenate3A_347 : vector<1024x768xi1>, vector<1024x768xf32>
      %reduce_max3A_356 = arith.constant dense<0xFF800000> : vector<1024xf32>
      %reduce_max3A_357 = vector.multi_reduction <maximumf>, %select_n3A_355, %reduce_max3A_356 [1] : vector<1024x768xf32> to vector<1024xf32>
      %broadcast_in_dim3A_358 = vector.shape_cast %reduce_max3A_357 : vector<1024xf32> to vector<1024x1xf32>
      %eq3A_359 = vector.broadcast %broadcast_in_dim3A_358 : vector<1024x1xf32> to vector<1024x768xf32>
      %eq3A_360 = arith.cmpf oeq, %select_n3A_355, %eq3A_359 : vector<1024x768xf32>
      %jit3A_361 = arith.constant -1.000000e+30 : f32
      %broadcast_in_dim3A_362 = vector.broadcast %jit3A_361 : f32 to vector<1024x768xf32>
      %select_n3A_363 = arith.select %eq3A_360, %broadcast_in_dim3A_362, %select_n3A_355 : vector<1024x768xi1>, vector<1024x768xf32>
      %reduce_max3A_364 = arith.constant dense<0xFF800000> : vector<1024xf32>
      %reduce_max3A_365 = vector.multi_reduction <maximumf>, %select_n3A_363, %reduce_max3A_364 [1] : vector<1024x768xf32> to vector<1024xf32>
      %broadcast_in_dim3A_366 = vector.shape_cast %reduce_max3A_365 : vector<1024xf32> to vector<1024x1xf32>
      %eq3A_367 = vector.broadcast %broadcast_in_dim3A_366 : vector<1024x1xf32> to vector<1024x768xf32>
      %eq3A_368 = arith.cmpf oeq, %select_n3A_363, %eq3A_367 : vector<1024x768xf32>
      %jit3A_369 = arith.constant -1.000000e+30 : f32
      %broadcast_in_dim3A_370 = vector.broadcast %jit3A_369 : f32 to vector<1024x768xf32>
      %select_n3A_371 = arith.select %eq3A_368, %broadcast_in_dim3A_370, %select_n3A_363 : vector<1024x768xi1>, vector<1024x768xf32>
      %reduce_max3A_372 = arith.constant dense<0xFF800000> : vector<1024xf32>
      %reduce_max3A_373 = vector.multi_reduction <maximumf>, %select_n3A_371, %reduce_max3A_372 [1] : vector<1024x768xf32> to vector<1024xf32>
      %broadcast_in_dim3A_374 = vector.shape_cast %reduce_max3A_373 : vector<1024xf32> to vector<1024x1xf32>
      %eq3A_375 = vector.broadcast %broadcast_in_dim3A_374 : vector<1024x1xf32> to vector<1024x768xf32>
      %eq3A_376 = arith.cmpf oeq, %select_n3A_371, %eq3A_375 : vector<1024x768xf32>
      %jit3A_377 = arith.constant -1.000000e+30 : f32
      %broadcast_in_dim3A_378 = vector.broadcast %jit3A_377 : f32 to vector<1024x768xf32>
      %select_n3A_379 = arith.select %eq3A_376, %broadcast_in_dim3A_378, %select_n3A_371 : vector<1024x768xi1>, vector<1024x768xf32>
      %reduce_max3A_380 = arith.constant dense<0xFF800000> : vector<1024xf32>
      %reduce_max3A_381 = vector.multi_reduction <maximumf>, %select_n3A_379, %reduce_max3A_380 [1] : vector<1024x768xf32> to vector<1024xf32>
      %broadcast_in_dim3A_382 = vector.shape_cast %reduce_max3A_381 : vector<1024xf32> to vector<1024x1xf32>
      %eq3A_383 = vector.broadcast %broadcast_in_dim3A_382 : vector<1024x1xf32> to vector<1024x768xf32>
      %eq3A_384 = arith.cmpf oeq, %select_n3A_379, %eq3A_383 : vector<1024x768xf32>
      %jit3A_385 = arith.constant -1.000000e+30 : f32
      %broadcast_in_dim3A_386 = vector.broadcast %jit3A_385 : f32 to vector<1024x768xf32>
      %select_n3A_387 = arith.select %eq3A_384, %broadcast_in_dim3A_386, %select_n3A_379 : vector<1024x768xi1>, vector<1024x768xf32>
      %reduce_max3A_388 = arith.constant dense<0xFF800000> : vector<1024xf32>
      %reduce_max3A_389 = vector.multi_reduction <maximumf>, %select_n3A_387, %reduce_max3A_388 [1] : vector<1024x768xf32> to vector<1024xf32>
      %broadcast_in_dim3A_390 = vector.shape_cast %reduce_max3A_389 : vector<1024xf32> to vector<1024x1xf32>
      %concatenate3A_391 = tpu.concatenate %broadcast_in_dim3A_350, %broadcast_in_dim3A_358, %broadcast_in_dim3A_366, %broadcast_in_dim3A_374, %broadcast_in_dim3A_382, %broadcast_in_dim3A_390 in 1 : vector<1024x1xf32>, vector<1024x1xf32>, vector<1024x1xf32>, vector<1024x1xf32>, vector<1024x1xf32>, vector<1024x1xf32> -> vector<1024x6xf32>
      %slice3A_392 = vector.extract_strided_slice %concatenate3A_391 {offsets = [0, 5], sizes = [1024, 1], strides = [1, 1]} : vector<1024x6xf32> to vector<1024x1xf32>
      %reduce_sum3A_393 = arith.constant dense<0.000000e+00> : vector<1024xf32>
      %reduce_sum3A_394 = vector.multi_reduction <add>, %concatenate3A_391, %reduce_sum3A_393 [1] : vector<1024x6xf32> to vector<1024xf32>
      %broadcast_in_dim3A_395 = vector.shape_cast %reduce_sum3A_394 : vector<1024xf32> to vector<1024x1xf32>
      %ge3A = arith.cmpf oge, %broadcast_in_dim3A_316, %slice3A_392 : vector<1024x1xf32>
      %jit3A_396 = arith.constant 0.000000e+00 : f32
      %broadcast_in_dim3A_397 = vector.broadcast %jit3A_396 : f32 to vector<1024x1xf32>
      %select_n3A_398 = arith.select %ge3A, %broadcast_in_dim3A_316, %broadcast_in_dim3A_397 : vector<1024x1xi1>, vector<1024x1xf32>
      %sub3A_399 = arith.subf %broadcast_in_dim3A_395, %select_n3A_398 : vector<1024x1xf32>
      %jit3A_400 = arith.constant 5.000000e+00 : f32
      %jit3A_401 = arith.constant 6.000000e+00 : f32
      %broadcast_in_dim3A_402 = vector.broadcast %jit3A_400 : f32 to vector<1024x1xf32>
      %broadcast_in_dim3A_403 = vector.broadcast %jit3A_401 : f32 to vector<1024x1xf32>
      %select_n3A_404 = arith.select %ge3A, %broadcast_in_dim3A_402, %broadcast_in_dim3A_403 : vector<1024x1xi1>, vector<1024x1xf32>
      %div3A = arith.constant 6.000000e+00 : f32
      %div3A_405 = vector.broadcast %div3A : f32 to vector<1024x1xf32>
      %div3A_406 = arith.divf %select_n3A_404, %div3A_405 : vector<1024x1xf32>
      %add3A_407 = arith.constant 1.000000e+00 : f32
      %add3A_408 = vector.broadcast %add3A_407 : f32 to vector<1024x1xf32>
      %add3A_409 = arith.addf %add3A_408, %div3A_406 : vector<1024x1xf32>
      %mul3A_410 = arith.mulf %add3A_409, %add3A_272 : vector<1024x1xf32>
      %sub3A_411 = arith.subf %mul3A_410, %broadcast_in_dim3A_316 : vector<1024x1xf32>
      %div3A_412 = arith.constant 6.000000e+00 : f32
      %div3A_413 = vector.broadcast %div3A_412 : f32 to vector<1024x1xf32>
      %div3A_414 = arith.divf %sub3A_399, %div3A_413 : vector<1024x1xf32>
      %sub3A_415 = arith.subf %sub3A_411, %div3A_414 : vector<1024x1xf32>
      %reduce_sum3A_416 = arith.constant dense<0.000000e+00> : vector<1xf32>
      %reduce_sum3A_417 = vector.multi_reduction <add>, %sub3A_415, %reduce_sum3A_416 [0] : vector<1024x1xf32> to vector<1xf32>
      %broadcast_in_dim3A_418 = vector.shape_cast %reduce_sum3A_417 : vector<1xf32> to vector<1x1xf32>
      %mul3A_419 = arith.constant 6.76901545E-4 : f32
      %mul3A_420 = vector.broadcast %mul3A_419 : f32 to vector<1x1xf32>
      %mul3A_421 = arith.mulf %broadcast_in_dim3A_418, %mul3A_420 : vector<1x1xf32>
      %swap3A_422 = arith.constant 0 : index
      %swap3A_423 = arith.constant 0 : index
      %swap3A_424 = vector.load %arg5[%swap3A_422, %swap3A_423] : memref<1x1xf32, #tpu.memory_space<vmem>>, vector<1x1xf32>
      tpu.vector_store %arg5[%swap3A_422, %swap3A_423], %mul3A_421 {strides = array<i32>} : memref<1x1xf32, #tpu.memory_space<vmem>>, vector<1x1xf32>,
    } else {
    }
    return
  }
  func.func @transform_0(%arg0: i32) -> (i32, i32) {
    %c0_i32 = arith.constant 0 : i32
    %c0_i32_0 = arith.constant 0 : i32
    %c0_i32_1 = arith.constant 0 : i32
    return %c0_i32, %c0_i32_0 : i32, i32
  }
  func.func @transform_1(%arg0: i32) -> (i32, i32) {
    %c0_i32 = arith.constant 0 : i32
    %c0_i32_0 = arith.constant 0 : i32
    %c0_i32_1 = arith.constant 0 : i32
    return %c0_i32, %c0_i32_0 : i32, i32
  }
  func.func @transform_2(%arg0: i32) -> (i32, i32) {
    %c0_i32 = arith.constant 0 : i32
    %c0_i32_0 = arith.constant 0 : i32
    %c0_i32_1 = arith.constant 0 : i32
    return %c0_i32, %c0_i32_0 : i32, i32
  }
  func.func @transform_3(%arg0: i32) -> (i32, i32) {
    %c0_i32 = arith.constant 0 : i32
    %c0_i32_0 = arith.constant 0 : i32
    return %arg0, %c0_i32 : i32, i32
  }
  func.func @transform_4(%arg0: i32) -> (i32, i32) {
    %c0_i32 = arith.constant 0 : i32
    %c0_i32_0 = arith.constant 0 : i32
    %c0_i32_1 = arith.constant 0 : i32
    return %c0_i32, %c0_i32_0 : i32, i32
  }
}

</mosaic_0001>

<sc_bundles>
// kernel: kernel.4.cloned.1.call-start
scs
__scs_entry_jumppad:
0x0: {  	(pc) =	sbr.rel $0x88, $3  }
0x1: {  	(tag) =	ssettag $0x0;
	lr =	simm.s32 $0x1  }
0x2: {  	[smem:$0x3F9E] =	sst lr;
	_ =	strace $0xD0000000  }
0x3: {  	_ = 	snop  }
0x4: {  	_ = 	snop  }
0x5: {  	_ = 	snop  }
0x6: {  	_ = 	snop  }
0x7: {  	_ = 	snop  }
__scs_overlays_trampoline_lowered:
0x8: {  	[smem:$0x3FAD] =	sst s0  }
0x9: {  	[smem:$0x3FAE] =	sst s1  }
0xa: {  	[smem:$0x3FAF] =	sst s2  }
0xb: {  	[smem:$0x3FB0] =	sst s3  }
0xc: {  	[smem:$0x3FB1] =	sst s4  }
0xd: {  	[smem:$0x3FB2] =	sst s5  }
0xe: {  	[smem:$0x3FB3] =	sst s6  }
0xf: {  	[smem:$0x3FB4] =	sst s7  }
0x10: {  	[smem:$0x3FB5] =	sst s8  }
0x11: {  	[smem:$0x3FB6] =	sst s9;
	s0 =	simm.s32 @!p0 $0x0  }
0x12: {  	s1 =	sld [smem:$0x3F9C];
	s0 =	simm.s32 @p0 $0x1  }
0x13: {  	[smem:$0x3FB7] =	sst s0;
	s0 =	simm.s32 @!p1 $0x0  }
0x14: {  	s2 =	sld [smem:$0x3F9B];
	s0 =	simm.s32 @p1 $0x1  }
0x15: {  	[smem:$0x3FB8] =	sst s0;
	s0 =	simm.s32 @!p2 $0x0  }
0x16: {  	s3 =	sld [smem:$0x3FDB];
	s0 =	simm.s32 @p2 $0x1  }
0x17: {  	s4 =	simm.s32 $0x1BF5;
	[smem:$0x3FBA] =	sst s0  }
0x18: {  	s0 =	sld [smem:$0x3F9D];
	_ =	swait.ge [sflag:s4], $0x0  }
0x19: {  	s7 =	sld [smem:$0x3F9E]  }
0x1a: {  	s8 =	sadd.s32 $0xFFFFE003, lr  }
0x1b: {  	s9 =	sadd.s32 $0xFFFFFEF7, lr;
	s5 =	simm.s32 $0xFFFFFFFF;
	p2 =	slt.u32 s8, $0xFFFFF086  }
0x1c: {  	p1 =	slt.u32 s9, $0xF7A;
	s5 =	simm.s32 @!p2 $0x0  }
0x1d: {  	s5 =	simm.s32 @p1 $0x1;
	p0 =	seq.s32 s7, s2  }
0x1e: {  	s7 =	smul.u32 @!p0 $0xF7A, s2;
	p2 =	seq.s32 @!p0 s5, $0x0  }
0x1f: {  	s9 =	smul.u32 $0xF7A, s1;
	s8 =	simm.s32 @!p0 $0x1BF5;
	p2 =	por !p2, p0  }
0x20: {  	[sflag:s8] =	ssyncset.s32 @!p0 $0xFFFFF086;
	s6 =	sadd.s32 @!p0 s3, s7;
	s7 =	simm.s32 @!p0 $0x108  }
0x21: {  	s3 =	sadd.s32 s3, s9;
	s6 =	sadd.s32 @!p0 $0x88, s6;
	s7 =	simm.s32 @p2 $0x1082  }
0x22: {  	[simem:s7], [sflag:s8] =	dma.local @!p0 [hbm:s6], $0xF7A  }
0x23: {  	s9 =	sor.u32 $0xD0000000, s2;
	s6 =	simm.s32 $0x108;
	_ =	swait.ge @!p0 [sflag:s8], $0x0  }
0x24: {  	s3 =	sadd.s32 $0x88, s3;
	s6 =	simm.s32 @!p1 $0x1082;
	[sflag:s4] =	ssyncset.s32 $0xFFFFF086  }
0x25: {  	[simem:s6], [sflag:s4] =	dma.local [hbm:s3], $0xF7A  }
0x26: {  	[smem:$0x3F9E] =	sst s1;
	(tag) =	ssettag s2;
	_ =	strace s9  }
0x27: {  	s1 =	sld [smem:$0x3FAE]  }
0x28: {  	s2 =	sld [smem:$0x3FAF]  }
0x29: {  	s4 =	sld [smem:$0x3FB1]  }
0x2a: {  	p0 =	seq.s32 s5, $0x0;
	s5 =	sld [smem:$0x3FB2]  }
0x2b: {  	s6 =	sld [smem:$0x3FB3]  }
0x2c: {  	s7 =	sld [smem:$0x3FB4]  }
0x2d: {  	s3 =	simm.s32 $0x108;
	s8 =	sld [smem:$0x3FB5]  }
0x2e: {  	s3 =	simm.s32 @!p0 $0x1082;
	s9 =	sld [smem:$0x3FB6]  }
0x2f: {  	lr =	sadd.s32 s0, s3;
	s0 =	sld [smem:$0x3FAD]  }
0x30: {  	s3 =	sld [smem:$0x3FB0]  }
0x31: {  	[smem:$0x3FB9] =	sst s10  }
0x32: {  	s10 =	sld [smem:$0x3FB7];
	_ =	sdelay $0x3  }
0x33: {  	p0 =	seq.s32 s10, $0x1;
	s10 =	sld [smem:$0x3FB9];
	_ =	sdelay $0x3  }
0x34: {  	[smem:$0x3FB9] =	sst s10  }
0x35: {  	s10 =	sld [smem:$0x3FB8];
	_ =	sdelay $0x3  }
0x36: {  	p1 =	seq.s32 s10, $0x1;
	s10 =	sld [smem:$0x3FB9];
	_ =	sdelay $0x3  }
0x37: {  	[smem:$0x3FB9] =	sst s10  }
0x38: {  	s10 =	sld [smem:$0x3FBA]  }
0x39: {  	_ = 	snop;
	(pc) =	sbr.ind lr, $3  }
0x3a: {  	_ = 	snop  }
0x3b: {  	_ = 	snop  }
0x3c: {  	p2 =	seq.s32 s10, $0x1;
	s10 =	sld [smem:$0x3FB9]  }
0x3d: {  	_ =	shalt  }
0x3e: {  	_ =	shalt  }
0x3f: {  	_ =	shalt  }
0x40: {  	_ =	shalt  }
0x41: {  	_ =	shalt  }
0x42: {  	_ =	shalt  }
0x43: {  	_ =	shalt  }
0x44: {  	_ =	shalt  }
0x45: {  	_ =	shalt  }
0x46: {  	_ =	shalt  }
0x47: {  	_ =	shalt  }
0x48: {  	_ =	shalt  }
0x49: {  	_ =	shalt  }
0x4a: {  	_ =	shalt  }
0x4b: {  	_ =	shalt  }
0x4c: {  	_ =	shalt  }
0x4d: {  	_ =	shalt  }
0x4e: {  	_ =	shalt  }
0x4f: {  	_ =	shalt  }
0x50: {  	_ =	shalt  }
0x51: {  	_ =	shalt  }
0x52: {  	_ =	shalt  }
0x53: {  	_ =	shalt  }
0x54: {  	_ =	shalt  }
0x55: {  	_ =	shalt  }
0x56: {  	_ =	shalt  }
0x57: {  	_ =	shalt  }
0x58: {  	_ =	shalt  }
0x59: {  	_ =	shalt  }
0x5a: {  	_ =	shalt  }
0x5b: {  	_ =	shalt  }
0x5c: {  	_ =	shalt  }
0x5d: {  	_ =	shalt  }
0x5e: {  	_ =	shalt  }
0x5f: {  	_ =	shalt  }
0x60: {  	_ =	shalt  }
0x61: {  	_ =	shalt  }
0x62: {  	_ =	shalt  }
0x63: {  	_ =	shalt  }
0x64: {  	_ =	shalt  }
0x65: {  	_ =	shalt  }
0x66: {  	_ =	shalt  }
0x67: {  	_ =	shalt  }
0x68: {  	_ =	shalt  }
0x69: {  	_ =	shalt  }
0x6a: {  	_ =	shalt  }
0x6b: {  	_ =	shalt  }
0x6c: {  	_ =	shalt  }
0x6d: {  	_ =	shalt  }
0x6e: {  	_ =	shalt  }
0x6f: {  	_ =	shalt  }
0x70: {  	_ =	shalt  }
0x71: {  	_ =	shalt  }
0x72: {  	_ =	shalt  }
0x73: {  	_ =	shalt  }
0x74: {  	_ =	shalt  }
0x75: {  	_ =	shalt  }
0x76: {  	_ =	shalt  }
0x77: {  	_ =	shalt  }
0x78: {  	_ =	shalt  }
0x79: {  	_ =	shalt  }
0x7a: {  	_ =	shalt  }
0x7b: {  	_ =	shalt  }
0x7c: {  	_ =	shalt  }
0x7d: {  	_ =	shalt  }
0x7e: {  	_ =	shalt  }
0x7f: {  	_ =	shalt  }
0x80: {  	_ =	shalt  }
0x81: {  	_ =	shalt  }
0x82: {  	_ =	shalt  }
0x83: {  	_ =	shalt  }
0x84: {  	_ =	shalt  }
0x85: {  	_ =	shalt  }
0x86: {  	_ =	shalt  }
0x87: {  	_ =	shalt  }
.Lfunc_end0:
.L_simem_size_0:
called_computation_lowered:
.L_overlay_start_0:
0x88: {  	s2 =	sld [smem:$0x3FD9]  }
0x89: {  	s3 =	sld [smem:$0x3FFE];
	_ =	sdelay $0x1  }
0x8a: {  	s1 =	srdreg.scid  }
0x8b: {  	s0 =	sand.u32 $0x1, s1  }
0x8c: {  	s16 =	sshll.u32 s0, $0xA;
	s2 =	sadd.s32 s3, s2  }
0x8d: {  	s2 =	sadd.s32 s2, s16  }
0x8e: {  	[smem:$0x3FC5] =	sst s2  }
0x8f: {  	_ = 	snop  }
0x90: {  	(tm) =	ssettm $0x1  }
0x91: {  	s17 =	sld [smem:$0x3FFB];
	_ =	sdelay $0x3  }
0x92: {  	_ =	strace s17  }
0x93: {  	s2 =	sld [smem:$0x3FFC];
	_ =	sdelay $0x3  }
0x94: {  	_ =	strace s2  }
0x95: {  	s2 =	sld [smem:$0x3FFD];
	_ =	sdelay $0x3  }
0x96: {  	_ =	strace s2  }
0x97: {  	_ =	strace $0x8FFFFFFF  }
0x98: {  	s18 =	sld [smem:$0x3FDB];
	_ =	sdelay $0x1  }
0x99: {  	s19 =	simm.s32 $_scs_section_size  }
0x9a: {  	s4 =	simm.s32 $_size__tile_overlayer_lowered;
	s5 =	simm.s32 $_tile_overlayer_lowered  }
0x9b: {  	s22 =	simm.s32 $0x1BFF;
	s21 =	sshll.u32 s5, $0x1;
	s2 =	sadd.s32 s19, s18  }
0x9c: {  	s6 =	simm.s32 $0x0;
	s20 =	sshll.u32 s4, $0x1;
	s4 =	sadd.s32 s21, s2  }
0x9d: {  	[timem:s6], [sflag:s22] =	dma.local [hbm:s4], s20  }
0x9e: {  	_ =	swait.ge [sflag:s22], s20  }
0x9f: {  	s3 =	ssub.s32 $0x0, s20;
	[sflag:s22] =	ssyncset.done $0x0  }
0xa0: {  	[sflag:s22] =	ssyncadd.s32 s3;
	_ =	sdelay $0x1  }
0xa1: {  	s23 =	simm.s32 $0x1B8B  }
0xa2: {  	_ =	swait.ge [sflag:s23], $0x1  }
0xa3: {  	[sflag:s23] =	ssyncset.done $0x0  }
0xa4: {  	s25 =	simm.s32 $0x1B8E;
	s24 =	sld [smem:$0x3FFE];
	[sflag:s23] =	ssyncadd.s32 $0xFFFFFFFF  }
0xa5: {  	s26 =	simm.s32 $execute0_lowered;
	[smem:$0x3FD2] =	sst s25  }
0xa6: {  	s4 =	sshll.u32 s26, $0x1;
	_ =	strace $0x80000046;
	[dreg:$0x1] =	wrdreg $0xFFFFFFFF  }
0xa7: {  	s28 =	simm.s32 $_size_execute0_lowered;
	s2 =	sadd.s32 s2, s4;
	[dreg:$0x0] =	wrdreg $0x0  }
0xa8: {  	s4 =	sshll.u32 s28, $0x1;
	[dreg:$0x2] =	wrdreg s2  }
0xa9: {  	[dreg:$0x3] =	wrdreg s4  }
0xaa: {  	[dreg:$0x4] =	wrdreg $0xC0  }
0xab: {  	_ =	task [dreg:s6], $0x5FFFF  }
0xac: {  	[dreg:$0x1] =	wrdreg $0xFFFFFFFF  }
0xad: {  	[dreg:$0x0] =	wrdreg $0x60  }
0xae: {  	[dreg:$0x2] =	wrdreg s24  }
0xaf: {  	[dreg:$0x3] =	wrdreg $0x9  }
0xb0: {  	_ =	task.clear_ibuf [dreg:s6], $0x4FFFF;
	_ =	strace $0x90000046  }
0xb1: {  	s29 =	simm.s32 $0x9;
	_ =	strace $0x80000048  }
0xb2: {  	_ =	swait.ge [sflag:s29], $0x1  }
0xb3: {  	[sflag:s29] =	ssyncadd.s32 $0xFFFFFFFF  }
0xb4: {  	_ =	strace $0x90000048  }
0xb5: {  	_ =	sfence  }
0xb6: {  	s30 =	sld [smem:$0x0];
	_ =	sdelay $0x2  }
0xb7: {  	s31 =	sshll.u32 s1, $0xD;
	s1 =	sshrl.u32 s1, $0x2  }
0xb8: {  	s3 =	sand.u32 $0x4000, s31;
	s1 =	sadd.s32 s1, s30  }
0xb9: {  	s0 =	sor.u32 s3, s0;
	s1 =	sshll.u32 s1, $0x11  }
0xba: {  	s0 =	sor.u32 s1, s0  }
0xbb: {  	s0 =	sadd.s32 $0x8F2B, s0  }
0xbc: {  	[sflag:s0] =	ssyncadd.remote.s32 $0x1  }
0xbd: {  	_ =	sfence.sel $0xFFFF  }
0xbe: {  	[dreg:$0x0] =	wrdreg $0xFFFFFFFF;
	(pc) =	sbr.abs _section_cstart, $3  }
0xbf: {  	[dreg:$0x1] =	wrdreg $0xFFFFFFFF  }
0xc0: {  	_ =	task.clear_ibuf [dreg:s6], $0x2FFFF;
	_ =	strace $0x9FFFFFFF  }
0xc1: {  	(tm) =	ssettm $0x7FFFFFFF  }
tec
execute0_lowered:
.L_overlay_start_1:
0x0: {  	(tag) =	ssettag $0x1  }
0x1: {  	s1 =	srdreg.scid  }
0x2: {  	s0 =	stileid.u32;
	s9 =	rddreg [dreg:$0x0];
	s6 =	sand.u32 $0x1, s1  }
0x3: {  	s7 =	simm.s32 $0x80;
	s30 =	sshll.u32 s0, $0x6;
	s2 =	sshll.u32 s6, $0x5  }
0x4: {  	s8 =	simm.s32 $0x1;
	s1 =	rddreg [dreg:$0x1];
	s10 =	sor.u32 s2, s30  }
0x5: {  	s5 =	sadd.s32 $0x187400, s9;
	s2 =	simm.s32 $0x0;
	s3 =	sshrl.u32 s10, $0x3  }
0x6: {  	s11 =	ssub.s32 $0x2, s6;
	[smem:$0x7FF] =	sst s2;
	s3 =	sadd.s32 s3, s9  }
0x7: {  	_ =	strace $0x80000047;
	s4 =	sadd.s32 $0x24AA00, s3;
	s3 =	simm.s32 $0x2  }
0x8: {  	[tilespmem:s2], [sflag:$0x2] =	stream.linear.gather [hbm4b:s4+s2], $0x20, $0x38;
	[tilespmem:$0x1080] =	vst v63  }
0x9: {  	s6 =	simm.s32 $0x20;
	s12 =	sshrl.u32 s11, $0x1;
	_ =	swait.ge [sflag:s3], $0x20  }
0xa: {  	s10 =	sshll.u32 s10, $0x4;
	s31 =	ssub.s32 s11, s12;
	[sflag:s3] =	ssyncset.done $0x0  }
0xb: {  	s9 =	sadd.s32 s10, s9;
	s10 =	smax.u32 s31, $0x1;
	[sflag:s3] =	ssyncadd.s32 $0xFFFFFFE0  }
0xc: {  	[tilespmem:s7], [sflag:$0x1] =	stream.indirect.gather [hbm4b:s5+s6], $0x80, s2, s6, $0xb8;
	[tilespmem:$0x1080] =	vst v63  }
0xd: {  	p0 =	sne.s32 s10, $0x1;
	_ =	swait.ge [sflag:s8], $0x1000  }
.Ltmp0:
0xe: {  	[sflag:s8] =	ssyncset.done $0x0;
	(pc) =	sbr.rel @!p0 .LBB2_2-.Ltmp0, $4  }
0xf: {  	s9 =	sadd.s32 $0x24AC00, s9;
	[sflag:s8] =	ssyncadd.s32 $0xFFFFF000  }
0x10: {  	[hbm4b:s9+s2] =	stream.linear.scatter [tilespmem:s7], [sflag:$0x2], $0x1000, $0x38;
	[tilespmem:$0x1080] =	vst v63  }
0x11: {  	_ =	swait.ge [sflag:s3], $0x1000  }
0x12: {  	s10 =	sadd.s32 $0xFFFFFFFF, s10;
	[sflag:s3] =	ssyncset.done $0x0  }
.LBB2_1:
0x13: {  	p0 =	sne.s32 s10, $0x1;
	s10 =	sadd.s32 $0xFFFFFFFF, s10;
	[sflag:s3] =	ssyncadd.s32 $0xFFFFF000  }
0x14: {  	[tilespmem:s2], [sflag:$0x2] =	stream.linear.gather [hbm4b:s4+s2], $0x20, $0x38;
	[tilespmem:$0x1080] =	vst v63  }
0x15: {  	_ =	swait.ge [sflag:s3], $0x20  }
0x16: {  	[sflag:s3] =	ssyncset.done $0x0  }
0x17: {  	[sflag:s3] =	ssyncadd.s32 $0xFFFFFFE0  }
0x18: {  	[tilespmem:s7], [sflag:$0x1] =	stream.indirect.gather [hbm4b:s5+s6], $0x80, s2, s6, $0xb8;
	[tilespmem:$0x1080] =	vst v63  }
0x19: {  	_ =	swait.ge [sflag:s8], $0x1000  }
.Ltmp1:
0x1a: {  	[sflag:s8] =	ssyncset.done $0x0;
	(pc) =	sbr.rel @p0 .LBB2_1-.Ltmp1, $4  }
0x1b: {  	[sflag:s8] =	ssyncadd.s32 $0xFFFFF000  }
0x1c: {  	[hbm4b:s9+s2] =	stream.linear.scatter [tilespmem:s7], [sflag:$0x2], $0x1000, $0x38;
	[tilespmem:$0x1080] =	vst v63  }
0x1d: {  	_ =	swait.ge [sflag:s3], $0x1000  }
0x1e: {  	[sflag:s3] =	ssyncset.done $0x0  }
.LBB2_2:
0x1f: {  	[sflag:s3] =	ssyncadd.s32 $0xFFFFF000  }
0x20: {  	_ =	sfence.sel $0x180000  }
0x21: {  	[bflag:$0x0] =	sbarrier.arrive $0xFFFF  }
0x22: {  	p0 =	sne.s32 s0, $0x0;
	_ =	strace $0x90000047  }
0x23: {  	s0 =	sadd.s32 @!p0 $0x100000, s1;
	[bflag:$0x2] =	sbarrier.arrive $0xFFFF  }
0x24: {  	[sflag:s0] =	ssyncadd.tile.s32 @!p0 $0x1;
	_ =	shalt  }
.Lfunc_end2:
_tile_overlayer_lowered:
.L_overlay_start_2:
0x25: {  	(tag) =	ssettag $0x2  }
0x26: {  	s0 =	rddreg [dreg:$0x0];
	s2 =	stileid.u32  }
0x27: {  	s1 =	rddreg [dreg:$0x1];
	p0 =	sne.s32 s2, $0x0  }
0x28: {  	s3 =	rddreg [dreg:$0x2];
	[bflag:$0x3] =	sbarrier.arrive $0xFFFF;
	s2 =	simm.s32 @!p0 $0x1C02  }
0x29: {  	[timem:s3], [sflag:s2] =	dma.local @!p0 [hbm:s0], s1  }
0x2a: {  	s0 =	simm.s32 @!p0 $0x2  }
0x2b: {  	_ =	swait.ge @!p0 [sflag:s0], s1  }
0x2c: {  	s1 =	ssub.s32 @!p0 $0x0, s1;
	[sflag:s0] =	ssyncset.done @!p0 $0x0  }
0x2d: {  	[sflag:s0] =	ssyncadd.s32 @!p0 s1  }
0x2e: {  	[bflag:$0x3] =	sbarrier.arrive $0xFFFF  }
0x2f: {  	_ =	shalt  }

</sc_bundles>
